<compile_context>
chip_gen: v7x
topology: tpu7x:2x2x1
jax: 0.10.2.dev20260603
libtpu: 0.0.44.dev20260713+nightly
codegen_flags: <defaults>
</compile_context>

<pallas_src>
import jax
import jax.numpy as jnp
from jax import lax
from jax.experimental import pallas as pl
from jax.experimental.pallas import tpu as pltpu
from jax.experimental.pallas import tpu_sc as plsc

N = 10000
E = 320000
D = 128
DA = D + 16
NC = 2
NS = 16
NW = NC * NS
BLK = 256
NSUP = -(-E // (NW * BLK))
ITERS = NSUP
E_PAD = NW * BLK * ITERS
NPAD = 10112
RPT = NPAD // NS


def _sc_body(ha_hbm, ei_hbm, zeros_hbm, out, sh, idxbuf, rows, sem):
    c = lax.axis_index("c")
    s = lax.axis_index("s")
    wid = s * NC + c
    r0 = s * RPT

    pltpu.sync_copy(zeros_hbm.at[pl.ds(r0, RPT)], sh.at[pl.ds(r0, RPT)])
    plsc.subcore_barrier()

    @pl.loop(0, NSUP)
    def _super(p):
        pltpu.sync_copy(ei_hbm.at[wid].at[p], idxbuf)
        pltpu.async_copy(ha_hbm.at[idxbuf.at[0]], rows, sem).wait()
        pltpu.sync_copy(rows, sh.at[idxbuf.at[1]], add=True)

    plsc.subcore_barrier()
    pltpu.sync_copy(sh.at[pl.ds(r0, RPT)], out.at[c].at[pl.ds(r0, RPT)])


def _sc_aggregate(h_aug, ei, zeros):
    mesh = plsc.VectorSubcoreMesh(core_axis_name="c", subcore_axis_name="s",
                                  num_cores=NC, num_subcores=NS)
    return pl.kernel(
        _sc_body,
        out_type=jax.ShapeDtypeStruct((NC, NPAD, DA), jnp.float32),
        mesh=mesh,
        compiler_params=pltpu.CompilerParams(use_tc_tiling_on_sc=False),
        scratch_types=[
            pltpu.VMEM_SHARED((NPAD, DA), jnp.float32),
            pltpu.VMEM((2, BLK), jnp.int32),
            pltpu.VMEM((BLK, DA), jnp.float32),
            pltpu.SemaphoreType.DMA,
        ],
    )(h_aug, ei, zeros)


ROWS_TC = 400


def _tc_body(h, a0, a1, ws, wn, bs, bn, g, b, o):
    a0 = a0[0]
    a1 = a1[0]
    deg = jnp.maximum(a0[:, D:D + 1] + a1[:, D:D + 1], 1.0)
    neigh = (a0[:, :D] + a1[:, :D]) / deg
    dn = (((1,), (1,)), ((), ()))
    z = (lax.dot_general(h[...], ws[...], dn, preferred_element_type=jnp.float32)
         + bs[...]
         + lax.dot_general(neigh, wn[...], dn, preferred_element_type=jnp.float32)
         + bn[...])
    z = z * jax.nn.sigmoid(z)
    mu = jnp.mean(z, axis=-1, keepdims=True)
    r = z - mu
    var = jnp.mean(r * r, axis=-1, keepdims=True)
    o[...] = r * lax.rsqrt(var + 1e-5) * g[...] + b[...]


def _tc_dense(h, acc, W_self, W_neigh, b_self, b_neigh, ln_g, ln_b):
    grid = (N // ROWS_TC,)
    row_spec = pl.BlockSpec((ROWS_TC, D), lambda i: (i, 0))
    acc0_spec = pl.BlockSpec((1, ROWS_TC, DA), lambda i: (0, i, 0))
    acc1_spec = pl.BlockSpec((1, ROWS_TC, DA), lambda i: (1, i, 0))
    w_spec = pl.BlockSpec((D, D), lambda i: (0, 0))
    v_spec = pl.BlockSpec((1, D), lambda i: (0, 0))
    return pl.pallas_call(
        _tc_body,
        grid=grid,
        in_specs=[row_spec, acc0_spec, acc1_spec,
                  w_spec, w_spec, v_spec, v_spec, v_spec, v_spec],
        out_specs=row_spec,
        out_shape=jax.ShapeDtypeStruct((N, D), jnp.float32),
    )(h, acc, acc, W_self, W_neigh,
      b_self.reshape(1, D), b_neigh.reshape(1, D),
      ln_g.reshape(1, D), ln_b.reshape(1, D))


def kernel(h, edge_index, W_self, b_self, W_neigh, b_neigh, ln_g, ln_b):
    pad = E_PAD - E
    src4 = jnp.concatenate([edge_index[0], jnp.zeros((pad,), jnp.int32)]
                           ).reshape(NW, NSUP, 1, BLK)
    dst4 = jnp.concatenate([edge_index[1], jnp.full((pad,), N, jnp.int32)]
                           ).reshape(NW, NSUP, 1, BLK)
    ei = jnp.concatenate([src4, dst4], axis=2)
    h_aug = jnp.concatenate(
        [h, jnp.ones((N, 1), jnp.float32), jnp.zeros((N, DA - D - 1), jnp.float32)],
        axis=1)
    zeros = jnp.zeros((NPAD, DA), jnp.float32)
    acc = _sc_aggregate(h_aug, ei, zeros)
    return _tc_dense(h, acc, W_self, W_neigh, b_self, b_neigh, ln_g, ln_b)

# --- scband reference (transcript-rebuilt; emitter-appended) ---
"""Pipeline reference for scband-graph-sagelayer-26328149524774 (READ-ONLY COPY).

The authoritative reference and input builder live on the scoring server;
editing this copy changes nothing except your own understanding.
"""

import jax, jax.numpy as jnp
import numpy as np

N, E, D = 10000, 320000, 128

def setup_inputs(seed: int = 0) -> dict:
    key = jax.random.key(seed)
    k1, k2, k3, k4, k5, k6 = jax.random.split(key, 6)
    h = jax.random.normal(k1, (N, D), dtype=jnp.float32)
    edge_index = jax.random.randint(k2, (2, E), 0, N, dtype=jnp.int32)
    scale = 1.0 / np.sqrt(D)
    W_self = jax.random.uniform(k3, (D, D), jnp.float32, -scale, scale)
    b_self = jnp.zeros((D,), jnp.float32)
    W_neigh = jax.random.uniform(k4, (D, D), jnp.float32, -scale, scale)
    b_neigh = jnp.zeros((D,), jnp.float32)
    ln_g = jnp.ones((D,), jnp.float32)
    ln_b = jnp.zeros((D,), jnp.float32)
    return {"h": h, "edge_index": edge_index, "W_self": W_self, "b_self": b_self, "W_neigh": W_neigh, "b_neigh": b_neigh, "ln_g": ln_g, "ln_b": ln_b}

def reference(h, edge_index, W_self, b_self, W_neigh, b_neigh, ln_g, ln_b):
    n = h.shape[0]
    src = edge_index[0]
    dst = edge_index[1]
    # mean aggregation of neighbor features via scatter-add
    agg = jnp.zeros((n, h.shape[-1]), dtype=h.dtype).at[dst].add(h[src])
    deg = jnp.zeros((n,), dtype=h.dtype).at[dst].add(jnp.ones((dst.shape[0],), dtype=h.dtype))
    deg = jnp.maximum(deg, 1.0)
    neigh = agg / deg[:, None]
    out = h @ W_self.T + b_self + (neigh @ W_neigh.T + b_neigh)
    out = out * jax.nn.sigmoid(out)  # SiLU
    mu = jnp.mean(out, axis=-1, keepdims=True)
    var = jnp.var(out, axis=-1, keepdims=True)
    out = (out - mu) / jnp.sqrt(var + 1e-5) * ln_g + ln_b
    return out

if __name__ == "__main__":
    import jax
    _d = setup_inputs()
    print(jax.jit(kernel)(*tuple(_d.values())))

</pallas_src>

<mosaic_0001>
#map = affine_map<(d0, d1) -> (0, 0)>
#map1 = affine_map<(d0, d1) -> (0, 0, 0, 0)>
#map2 = affine_map<(d0, d1) -> (0, 0, 0)>
module attributes {stable_mosaic.version = 14 : i64} {
  func.func @_sc_body(%arg0: i32, %arg1: i32, %arg2: memref<10000x144xf32, #tpu.memory_space<hbm>>, %arg3: memref<32x40x2x256xi32, #tpu.memory_space<hbm>>, %arg4: memref<10112x144xf32, #tpu.memory_space<hbm>>, %arg5: memref<2x10112x144xf32, #tpu.memory_space<hbm>>, %arg6: memref<10112x144xf32, #tpu.memory_space<vmem_shared>>, %arg7: memref<2x256xi32, #tpu.memory_space<vmem>>, %arg8: memref<256x144xf32, #tpu.memory_space<vmem>>, %arg9: memref<!tpu.dma_semaphore, #tpu.memory_space<semaphore_mem>>) attributes {dimension_semantics = [#tpu.dimension_semantics<core_parallel>, #tpu.dimension_semantics<subcore_parallel>], iteration_bounds = array<i64: 2, 16>, scalar_prefetch = 0 : i64, scratch_operands = 4 : i64, tpu.core_type = #tpu.core_type<sc_vector_subcore>, window_params = [{transform_indices = #map}, {transform_indices = #map1}, {transform_indices = #map}, {transform_indices = #map2}]} {
    %mul3A = arith.constant 2 : i32
    %mul3A_0 = arith.muli %arg1, %mul3A : i32
    %add3A = arith.addi %mul3A_0, %arg0 : i32
    %mul3A_1 = arith.constant 632 : i32
    %mul3A_2 = arith.muli %arg1, %mul3A_1 : i32
    "tpu.region"() ({
      %run_scoped3A = tpu.sem_alloc : memref<!tpu.dma_semaphore, #tpu.memory_space<semaphore_mem>>
      %dma_start3A = arith.constant 0 : i32
      %dma_start3A_8 = tpu.memref_slice %arg6[%mul3A_2, %dma_start3A] : memref<10112x144xf32, #tpu.memory_space<vmem_shared>> -> memref<632x144xf32, #tpu.memory_space<vmem_shared>>
      %dma_start3A_9 = arith.constant 0 : i32
      %dma_start3A_10 = tpu.memref_slice %arg4[%mul3A_2, %dma_start3A_9] : memref<10112x144xf32, #tpu.memory_space<hbm>> -> memref<632x144xf32, #tpu.memory_space<hbm>>
      tpu.enqueue_dma source(%dma_start3A_10 : memref<632x144xf32, #tpu.memory_space<hbm>>) target(%dma_start3A_8 : memref<632x144xf32, #tpu.memory_space<vmem_shared>>) target_semaphore(%run_scoped3A : memref<!tpu.dma_semaphore, #tpu.memory_space<semaphore_mem>>)
      %dma_wait3A = arith.constant 0 : i32
      %dma_wait3A_11 = tpu.memref_slice %arg6[%mul3A_2, %dma_wait3A] : memref<10112x144xf32, #tpu.memory_space<vmem_shared>> -> memref<632x144xf32, #tpu.memory_space<vmem_shared>>
      %dma_wait3A_12 = arith.constant 0 : i32
      %dma_wait3A_13 = tpu.memref_slice %arg4[%mul3A_2, %dma_wait3A_12] : memref<10112x144xf32, #tpu.memory_space<hbm>> -> memref<632x144xf32, #tpu.memory_space<hbm>>
      tpu.wait_dma2 semaphore(%run_scoped3A : memref<!tpu.dma_semaphore, #tpu.memory_space<semaphore_mem>>) src(%dma_wait3A_13 : memref<632x144xf32, #tpu.memory_space<hbm>>) dst(%dma_wait3A_11 : memref<632x144xf32, #tpu.memory_space<vmem_shared>>)
      tpu.yield
    }) : () -> ()
    %barrier3A = arith.constant 0 : index
    tpu.barrier barrier_id(%barrier3A)
    %scan3A = arith.constant 0 : i32
    %scan3A_3 = arith.constant 40 : i32
    %scan3A_4 = arith.addi %scan3A, %scan3A_3 : i32
    %scan3A_5 = arith.constant 1 : i32
    scf.for %scan3A_8 = %scan3A to %scan3A_4 step %scan3A_5  : i32 {
      %mul3A_9 = arith.constant 1 : i32
      %mul3A_10 = arith.muli %scan3A_8, %mul3A_9 : i32
      %add3A_11 = arith.constant 0 : i32
      %add3A_12 = arith.addi %add3A_11, %mul3A_10 : i32
      "tpu.region"() ({
        %run_scoped3A_25 = tpu.sem_alloc : memref<!tpu.dma_semaphore, #tpu.memory_space<semaphore_mem>>
        %dma_start3A_26 = arith.constant 0 : i32
        %dma_start3A_27 = arith.constant 0 : i32
        %dma_start3A_28 = arith.constant 0 : i32
        %dma_start3A_29 = tpu.memref_slice %arg3[%add3A, %dma_start3A_26, %dma_start3A_27, %dma_start3A_28] : memref<32x40x2x256xi32, #tpu.memory_space<hbm>> -> memref<1x40x2x256xi32, #tpu.memory_space<hbm>>
        %dma_start3A_30 = tpu.memref_squeeze %dma_start3A_29 : memref<1x40x2x256xi32, #tpu.memory_space<hbm>> -> memref<40x2x256xi32, #tpu.memory_space<hbm>>
        %dma_start3A_31 = arith.constant 0 : i32
        %dma_start3A_32 = arith.constant 0 : i32
        %dma_start3A_33 = tpu.memref_slice %dma_start3A_30[%add3A_12, %dma_start3A_31, %dma_start3A_32] : memref<40x2x256xi32, #tpu.memory_space<hbm>> -> memref<1x2x256xi32, #tpu.memory_space<hbm>>
        %dma_start3A_34 = tpu.memref_squeeze %dma_start3A_33 : memref<1x2x256xi32, #tpu.memory_space<hbm>> -> memref<2x256xi32, #tpu.memory_space<hbm>>
        %dma_start3A_35 = arith.constant 0 : i32
        %dma_start3A_36 = arith.constant 0 : i32
        %dma_start3A_37 = arith.constant 0 : i32
        %dma_start3A_38 = tpu.memref_slice %arg3[%add3A, %dma_start3A_35, %dma_start3A_36, %dma_start3A_37] : memref<32x40x2x256xi32, #tpu.memory_space<hbm>> -> memref<1x40x2x256xi32, #tpu.memory_space<hbm>>
        %dma_start3A_39 = tpu.memref_squeeze %dma_start3A_38 : memref<1x40x2x256xi32, #tpu.memory_space<hbm>> -> memref<40x2x256xi32, #tpu.memory_space<hbm>>
        %dma_start3A_40 = arith.constant 0 : i32
        %dma_start3A_41 = arith.constant 0 : i32
        %dma_start3A_42 = tpu.memref_slice %dma_start3A_39[%add3A_12, %dma_start3A_40, %dma_start3A_41] : memref<40x2x256xi32, #tpu.memory_space<hbm>> -> memref<1x2x256xi32, #tpu.memory_space<hbm>>
        %dma_start3A_43 = tpu.memref_squeeze %dma_start3A_42 : memref<1x2x256xi32, #tpu.memory_space<hbm>> -> memref<2x256xi32, #tpu.memory_space<hbm>>
        tpu.enqueue_dma source(%dma_start3A_43 : memref<2x256xi32, #tpu.memory_space<hbm>>) target(%arg7 : memref<2x256xi32, #tpu.memory_space<vmem>>) target_semaphore(%run_scoped3A_25 : memref<!tpu.dma_semaphore, #tpu.memory_space<semaphore_mem>>)
        %dma_wait3A_44 = arith.constant 0 : i32
        %dma_wait3A_45 = arith.constant 0 : i32
        %dma_wait3A_46 = arith.constant 0 : i32
        %dma_wait3A_47 = tpu.memref_slice %arg3[%add3A, %dma_wait3A_44, %dma_wait3A_45, %dma_wait3A_46] : memref<32x40x2x256xi32, #tpu.memory_space<hbm>> -> memref<1x40x2x256xi32, #tpu.memory_space<hbm>>
        %dma_wait3A_48 = tpu.memref_squeeze %dma_wait3A_47 : memref<1x40x2x256xi32, #tpu.memory_space<hbm>> -> memref<40x2x256xi32, #tpu.memory_space<hbm>>
        %dma_wait3A_49 = arith.constant 0 : i32
        %dma_wait3A_50 = arith.constant 0 : i32
        %dma_wait3A_51 = tpu.memref_slice %dma_wait3A_48[%add3A_12, %dma_wait3A_49, %dma_wait3A_50] : memref<40x2x256xi32, #tpu.memory_space<hbm>> -> memref<1x2x256xi32, #tpu.memory_space<hbm>>
        %dma_wait3A_52 = tpu.memref_squeeze %dma_wait3A_51 : memref<1x2x256xi32, #tpu.memory_space<hbm>> -> memref<2x256xi32, #tpu.memory_space<hbm>>
        %dma_wait3A_53 = arith.constant 0 : i32
        %dma_wait3A_54 = arith.constant 0 : i32
        %dma_wait3A_55 = arith.constant 0 : i32
        %dma_wait3A_56 = tpu.memref_slice %arg3[%add3A, %dma_wait3A_53, %dma_wait3A_54, %dma_wait3A_55] : memref<32x40x2x256xi32, #tpu.memory_space<hbm>> -> memref<1x40x2x256xi32, #tpu.memory_space<hbm>>
        %dma_wait3A_57 = tpu.memref_squeeze %dma_wait3A_56 : memref<1x40x2x256xi32, #tpu.memory_space<hbm>> -> memref<40x2x256xi32, #tpu.memory_space<hbm>>
        %dma_wait3A_58 = arith.constant 0 : i32
        %dma_wait3A_59 = arith.constant 0 : i32
        %dma_wait3A_60 = tpu.memref_slice %dma_wait3A_57[%add3A_12, %dma_wait3A_58, %dma_wait3A_59] : memref<40x2x256xi32, #tpu.memory_space<hbm>> -> memref<1x2x256xi32, #tpu.memory_space<hbm>>
        %dma_wait3A_61 = tpu.memref_squeeze %dma_wait3A_60 : memref<1x2x256xi32, #tpu.memory_space<hbm>> -> memref<2x256xi32, #tpu.memory_space<hbm>>
        tpu.wait_dma2 semaphore(%run_scoped3A_25 : memref<!tpu.dma_semaphore, #tpu.memory_space<semaphore_mem>>) src(%dma_wait3A_61 : memref<2x256xi32, #tpu.memory_space<hbm>>) dst(%arg7 : memref<2x256xi32, #tpu.memory_space<vmem>>)
        tpu.yield
      }) : () -> ()
      %dma_start3A = arith.constant 0 : i32
      %dma_start3A_13 = arith.constant 0 : i32
      %dma_start3A_14 = tpu.memref_slice %arg7[%dma_start3A, %dma_start3A_13] : memref<2x256xi32, #tpu.memory_space<vmem>> -> memref<1x256xi32, #tpu.memory_space<vmem>>
      %dma_start3A_15 = tpu.memref_squeeze %dma_start3A_14 : memref<1x256xi32, #tpu.memory_space<vmem>> -> memref<256xi32, #tpu.memory_space<vmem>>
      %dma_start3A_16 = arith.constant 0 : i32
      %dma_start3A_17 = arith.constant 0 : i32
      %dma_start3A_18 = tpu.memref_slice %arg2[%dma_start3A_16, %dma_start3A_17] : memref<10000x144xf32, #tpu.memory_space<hbm>> -> memref<10000x144xf32, #tpu.memory_space<hbm>>
      tpu.enqueue_indirect_dma source(%dma_start3A_18 : memref<10000x144xf32, #tpu.memory_space<hbm>>) target(%arg8 : memref<256x144xf32, #tpu.memory_space<vmem>>) offsets(%dma_start3A_15 : memref<256xi32, #tpu.memory_space<vmem>>) semaphore(%arg9 : memref<!tpu.dma_semaphore, #tpu.memory_space<semaphore_mem>>)
      %dma_wait3A = arith.constant 0 : i32
      %dma_wait3A_19 = arith.constant 0 : i32
      %dma_wait3A_20 = tpu.memref_slice %arg7[%dma_wait3A, %dma_wait3A_19] : memref<2x256xi32, #tpu.memory_space<vmem>> -> memref<1x256xi32, #tpu.memory_space<vmem>>
      %dma_wait3A_21 = tpu.memref_squeeze %dma_wait3A_20 : memref<1x256xi32, #tpu.memory_space<vmem>> -> memref<256xi32, #tpu.memory_space<vmem>>
      %dma_wait3A_22 = arith.constant 0 : i32
      %dma_wait3A_23 = arith.constant 0 : i32
      %dma_wait3A_24 = tpu.memref_slice %arg2[%dma_wait3A_22, %dma_wait3A_23] : memref<10000x144xf32, #tpu.memory_space<hbm>> -> memref<10000x144xf32, #tpu.memory_space<hbm>>
      tpu.wait_indirect_dma semaphore(%arg9 : memref<!tpu.dma_semaphore, #tpu.memory_space<semaphore_mem>>) src(%dma_wait3A_24 : memref<10000x144xf32, #tpu.memory_space<hbm>>) dst(%arg8 : memref<256x144xf32, #tpu.memory_space<vmem>>)
      %run_scoped3A = arith.constant 1 : i32
      "tpu.region"() ({
        %run_scoped3A_25 = tpu.sem_alloc : memref<!tpu.dma_semaphore, #tpu.memory_space<semaphore_mem>>
        %dma_start3A_26 = arith.constant 0 : i32
        %dma_start3A_27 = tpu.memref_slice %arg7[%run_scoped3A, %dma_start3A_26] : memref<2x256xi32, #tpu.memory_space<vmem>> -> memref<1x256xi32, #tpu.memory_space<vmem>>
        %dma_start3A_28 = tpu.memref_squeeze %dma_start3A_27 : memref<1x256xi32, #tpu.memory_space<vmem>> -> memref<256xi32, #tpu.memory_space<vmem>>
        %dma_start3A_29 = arith.constant 0 : i32
        %dma_start3A_30 = arith.constant 0 : i32
        %dma_start3A_31 = tpu.memref_slice %arg6[%dma_start3A_29, %dma_start3A_30] : memref<10112x144xf32, #tpu.memory_space<vmem_shared>> -> memref<10112x144xf32, #tpu.memory_space<vmem_shared>>
        tpu.enqueue_indirect_dma source(%arg8 : memref<256x144xf32, #tpu.memory_space<vmem>>) target(%dma_start3A_31 : memref<10112x144xf32, #tpu.memory_space<vmem_shared>>) offsets(%dma_start3A_28 : memref<256xi32, #tpu.memory_space<vmem>>) semaphore(%run_scoped3A_25 : memref<!tpu.dma_semaphore, #tpu.memory_space<semaphore_mem>>) {add = true}
        %dma_wait3A_32 = arith.constant 0 : i32
        %dma_wait3A_33 = tpu.memref_slice %arg7[%run_scoped3A, %dma_wait3A_32] : memref<2x256xi32, #tpu.memory_space<vmem>> -> memref<1x256xi32, #tpu.memory_space<vmem>>
        %dma_wait3A_34 = tpu.memref_squeeze %dma_wait3A_33 : memref<1x256xi32, #tpu.memory_space<vmem>> -> memref<256xi32, #tpu.memory_space<vmem>>
        %dma_wait3A_35 = arith.constant 0 : i32
        %dma_wait3A_36 = arith.constant 0 : i32
        %dma_wait3A_37 = tpu.memref_slice %arg6[%dma_wait3A_35, %dma_wait3A_36] : memref<10112x144xf32, #tpu.memory_space<vmem_shared>> -> memref<10112x144xf32, #tpu.memory_space<vmem_shared>>
        tpu.wait_indirect_dma semaphore(%run_scoped3A_25 : memref<!tpu.dma_semaphore, #tpu.memory_space<semaphore_mem>>) src(%arg8 : memref<256x144xf32, #tpu.memory_space<vmem>>) dst(%dma_wait3A_37 : memref<10112x144xf32, #tpu.memory_space<vmem_shared>>)
        tpu.yield
      }) : () -> ()
    }
    %scan3A_6 = arith.constant 40 : i32
    %barrier3A_7 = arith.constant 0 : index
    tpu.barrier barrier_id(%barrier3A_7)
    "tpu.region"() ({
      %run_scoped3A = tpu.sem_alloc : memref<!tpu.dma_semaphore, #tpu.memory_space<semaphore_mem>>
      %dma_start3A = arith.constant 0 : i32
      %dma_start3A_8 = arith.constant 0 : i32
      %dma_start3A_9 = tpu.memref_slice %arg5[%arg0, %dma_start3A, %dma_start3A_8] : memref<2x10112x144xf32, #tpu.memory_space<hbm>> -> memref<1x10112x144xf32, #tpu.memory_space<hbm>>
      %dma_start3A_10 = tpu.memref_squeeze %dma_start3A_9 : memref<1x10112x144xf32, #tpu.memory_space<hbm>> -> memref<10112x144xf32, #tpu.memory_space<hbm>>
      %dma_start3A_11 = arith.constant 0 : i32
      %dma_start3A_12 = tpu.memref_slice %dma_start3A_10[%mul3A_2, %dma_start3A_11] : memref<10112x144xf32, #tpu.memory_space<hbm>> -> memref<632x144xf32, #tpu.memory_space<hbm>>
      %dma_start3A_13 = arith.constant 0 : i32
      %dma_start3A_14 = tpu.memref_slice %arg6[%mul3A_2, %dma_start3A_13] : memref<10112x144xf32, #tpu.memory_space<vmem_shared>> -> memref<632x144xf32, #tpu.memory_space<vmem_shared>>
      tpu.enqueue_dma source(%dma_start3A_14 : memref<632x144xf32, #tpu.memory_space<vmem_shared>>) target(%dma_start3A_12 : memref<632x144xf32, #tpu.memory_space<hbm>>) target_semaphore(%run_scoped3A : memref<!tpu.dma_semaphore, #tpu.memory_space<semaphore_mem>>)
      %dma_wait3A = arith.constant 0 : i32
      %dma_wait3A_15 = arith.constant 0 : i32
      %dma_wait3A_16 = tpu.memref_slice %arg5[%arg0, %dma_wait3A, %dma_wait3A_15] : memref<2x10112x144xf32, #tpu.memory_space<hbm>> -> memref<1x10112x144xf32, #tpu.memory_space<hbm>>
      %dma_wait3A_17 = tpu.memref_squeeze %dma_wait3A_16 : memref<1x10112x144xf32, #tpu.memory_space<hbm>> -> memref<10112x144xf32, #tpu.memory_space<hbm>>
      %dma_wait3A_18 = arith.constant 0 : i32
      %dma_wait3A_19 = tpu.memref_slice %dma_wait3A_17[%mul3A_2, %dma_wait3A_18] : memref<10112x144xf32, #tpu.memory_space<hbm>> -> memref<632x144xf32, #tpu.memory_space<hbm>>
      %dma_wait3A_20 = arith.constant 0 : i32
      %dma_wait3A_21 = tpu.memref_slice %arg6[%mul3A_2, %dma_wait3A_20] : memref<10112x144xf32, #tpu.memory_space<vmem_shared>> -> memref<632x144xf32, #tpu.memory_space<vmem_shared>>
      tpu.wait_dma2 semaphore(%run_scoped3A : memref<!tpu.dma_semaphore, #tpu.memory_space<semaphore_mem>>) src(%dma_wait3A_21 : memref<632x144xf32, #tpu.memory_space<vmem_shared>>) dst(%dma_wait3A_19 : memref<632x144xf32, #tpu.memory_space<hbm>>)
      tpu.yield
    }) : () -> ()
    return
  }
}

module attributes {stable_mosaic.version = 14 : i64} {
  func.func @_tc_body(%arg0: i32, %arg1: memref<400x128xf32, #tpu.memory_space<vmem>>, %arg2: memref<1x400x144xf32, #tpu.memory_space<vmem>>, %arg3: memref<1x400x144xf32, #tpu.memory_space<vmem>>, %arg4: memref<128x128xf32, #tpu.memory_space<vmem>>, %arg5: memref<128x128xf32, #tpu.memory_space<vmem>>, %arg6: memref<1x128xf32, #tpu.memory_space<vmem>>, %arg7: memref<1x128xf32, #tpu.memory_space<vmem>>, %arg8: memref<1x128xf32, #tpu.memory_space<vmem>>, %arg9: memref<1x128xf32, #tpu.memory_space<vmem>>, %arg10: memref<400x128xf32, #tpu.memory_space<vmem>>) attributes {dimension_semantics = [#tpu.dimension_semantics<arbitrary>], iteration_bounds = array<i64: 25>, scalar_prefetch = 0 : i64, scratch_operands = 0 : i64, tpu.core_type = #tpu.core_type<tc>, window_params = [{transform_indices = @transform_0, window_bounds = array<i64: 400, 128>}, {transform_indices = @transform_1, window_bounds = array<i64: 1, 400, 144>}, {transform_indices = @transform_2, window_bounds = array<i64: 1, 400, 144>}, {pipeline_mode = #tpu.pipeline_mode<synchronous>, transform_indices = @transform_3, window_bounds = array<i64: 128, 128>}, {pipeline_mode = #tpu.pipeline_mode<synchronous>, transform_indices = @transform_4, window_bounds = array<i64: 128, 128>}, {pipeline_mode = #tpu.pipeline_mode<synchronous>, transform_indices = @transform_5, window_bounds = array<i64: 1, 128>}, {pipeline_mode = #tpu.pipeline_mode<synchronous>, transform_indices = @transform_6, window_bounds = array<i64: 1, 128>}, {pipeline_mode = #tpu.pipeline_mode<synchronous>, transform_indices = @transform_7, window_bounds = array<i64: 1, 128>}, {pipeline_mode = #tpu.pipeline_mode<synchronous>, transform_indices = @transform_8, window_bounds = array<i64: 1, 128>}, {transform_indices = @transform_9, window_bounds = array<i64: 400, 128>}]} {
    %get3A = arith.constant 0 : index
    %get3A_0 = arith.constant 0 : index
    %get3A_1 = arith.constant 0 : index
    %get3A_2 = vector.load %arg2[%get3A, %get3A_0, %get3A_1] : memref<1x400x144xf32, #tpu.memory_space<vmem>>, vector<1x400x144xf32>
    %get3A_3 = vector.shape_cast %get3A_2 : vector<1x400x144xf32> to vector<400x144xf32>
    %get3A_4 = arith.constant 0 : index
    %get3A_5 = arith.constant 0 : index
    %get3A_6 = arith.constant 0 : index
    %get3A_7 = vector.load %arg3[%get3A_4, %get3A_5, %get3A_6] : memref<1x400x144xf32, #tpu.memory_space<vmem>>, vector<1x400x144xf32>
    %get3A_8 = vector.shape_cast %get3A_7 : vector<1x400x144xf32> to vector<400x144xf32>
    %slice3A = vector.extract_strided_slice %get3A_3 {offsets = [0, 128], sizes = [400, 1], strides = [1, 1]} : vector<400x144xf32> to vector<400x1xf32>
    %slice3A_9 = vector.extract_strided_slice %get3A_8 {offsets = [0, 128], sizes = [400, 1], strides = [1, 1]} : vector<400x144xf32> to vector<400x1xf32>
    %add3A = arith.addf %slice3A, %slice3A_9 : vector<400x1xf32>
    %max3A = arith.constant 1.000000e+00 : f32
    %max3A_10 = vector.broadcast %max3A : f32 to vector<400x1xf32>
    %max3A_11 = arith.maximumf %add3A, %max3A_10 : vector<400x1xf32>
    %slice3A_12 = vector.extract_strided_slice %get3A_3 {offsets = [0, 0], sizes = [400, 128], strides = [1, 1]} : vector<400x144xf32> to vector<400x128xf32>
    %slice3A_13 = vector.extract_strided_slice %get3A_8 {offsets = [0, 0], sizes = [400, 128], strides = [1, 1]} : vector<400x144xf32> to vector<400x128xf32>
    %add3A_14 = arith.addf %slice3A_12, %slice3A_13 : vector<400x128xf32>
    %div3A = vector.broadcast %max3A_11 : vector<400x1xf32> to vector<400x128xf32>
    %div3A_15 = arith.divf %add3A_14, %div3A : vector<400x128xf32>
    %get3A_16 = arith.constant 0 : index
    %get3A_17 = arith.constant 0 : index
    %get3A_18 = vector.load %arg1[%get3A_16, %get3A_17] : memref<400x128xf32, #tpu.memory_space<vmem>>, vector<400x128xf32>
    %get3A_19 = arith.constant 0 : index
    %get3A_20 = arith.constant 0 : index
    %get3A_21 = vector.load %arg4[%get3A_19, %get3A_20] : memref<128x128xf32, #tpu.memory_space<vmem>>, vector<128x128xf32>
    %dot_general3A = arith.constant dense<0.000000e+00> : vector<400x128xf32>
    %dot_general3A_22 = tpu.matmul %get3A_18, %get3A_21, %dot_general3A {dimension_numbers = #tpu.dot_dimension_numbers<[1], [1], [0], [0], [0, 0, 1, 0], [], []>, transpose_lhs_hint = false} : vector<400x128xf32>, vector<128x128xf32>, vector<400x128xf32> -> vector<400x128xf32>
    %get3A_23 = arith.constant 0 : index
    %get3A_24 = arith.constant 0 : index
    %get3A_25 = vector.load %arg6[%get3A_23, %get3A_24] : memref<1x128xf32, #tpu.memory_space<vmem>>, vector<1x128xf32>
    %add3A_26 = vector.broadcast %get3A_25 : vector<1x128xf32> to vector<400x128xf32>
    %add3A_27 = arith.addf %dot_general3A_22, %add3A_26 : vector<400x128xf32>
    %get3A_28 = arith.constant 0 : index
    %get3A_29 = arith.constant 0 : index
    %get3A_30 = vector.load %arg5[%get3A_28, %get3A_29] : memref<128x128xf32, #tpu.memory_space<vmem>>, vector<128x128xf32>
    %dot_general3A_31 = arith.constant dense<0.000000e+00> : vector<400x128xf32>
    %dot_general3A_32 = tpu.matmul %div3A_15, %get3A_30, %dot_general3A_31 {dimension_numbers = #tpu.dot_dimension_numbers<[1], [1], [0], [0], [0, 0, 1, 0], [], []>, transpose_lhs_hint = false} : vector<400x128xf32>, vector<128x128xf32>, vector<400x128xf32> -> vector<400x128xf32>
    %add3A_33 = arith.addf %add3A_27, %dot_general3A_32 : vector<400x128xf32>
    %get3A_34 = arith.constant 0 : index
    %get3A_35 = arith.constant 0 : index
    %get3A_36 = vector.load %arg7[%get3A_34, %get3A_35] : memref<1x128xf32, #tpu.memory_space<vmem>>, vector<1x128xf32>
    %add3A_37 = vector.broadcast %get3A_36 : vector<1x128xf32> to vector<400x128xf32>
    %add3A_38 = arith.addf %add3A_33, %add3A_37 : vector<400x128xf32>
    %logistic3A = arith.negf %add3A_38 : vector<400x128xf32>
    %logistic3A_39 = math.exp %logistic3A : vector<400x128xf32>
    %logistic3A_40 = arith.constant 1.000000e+00 : f32
    %logistic3A_41 = vector.broadcast %logistic3A_40 : f32 to vector<400x128xf32>
    %logistic3A_42 = arith.addf %logistic3A_41, %logistic3A_39 : vector<400x128xf32>
    %logistic3A_43 = arith.divf %logistic3A_41, %logistic3A_42 : vector<400x128xf32>
    %mul3A = arith.mulf %add3A_38, %logistic3A_43 : vector<400x128xf32>
    %reduce_sum3A = arith.constant dense<0.000000e+00> : vector<400xf32>
    %reduce_sum3A_44 = vector.multi_reduction <add>, %mul3A, %reduce_sum3A [1] : vector<400x128xf32> to vector<400xf32>
    %broadcast_in_dim3A = vector.shape_cast %reduce_sum3A_44 : vector<400xf32> to vector<400x1xf32>
    %div3A_45 = arith.constant 1.280000e+02 : f32
    %div3A_46 = vector.broadcast %div3A_45 : f32 to vector<400x1xf32>
    %div3A_47 = arith.divf %broadcast_in_dim3A, %div3A_46 : vector<400x1xf32>
    %sub3A = vector.broadcast %div3A_47 : vector<400x1xf32> to vector<400x128xf32>
    %sub3A_48 = arith.subf %mul3A, %sub3A : vector<400x128xf32>
    %mul3A_49 = arith.mulf %sub3A_48, %sub3A_48 : vector<400x128xf32>
    %reduce_sum3A_50 = arith.constant dense<0.000000e+00> : vector<400xf32>
    %reduce_sum3A_51 = vector.multi_reduction <add>, %mul3A_49, %reduce_sum3A_50 [1] : vector<400x128xf32> to vector<400xf32>
    %broadcast_in_dim3A_52 = vector.shape_cast %reduce_sum3A_51 : vector<400xf32> to vector<400x1xf32>
    %div3A_53 = arith.constant 1.280000e+02 : f32
    %div3A_54 = vector.broadcast %div3A_53 : f32 to vector<400x1xf32>
    %div3A_55 = arith.divf %broadcast_in_dim3A_52, %div3A_54 : vector<400x1xf32>
    %add3A_56 = arith.constant 9.99999974E-6 : f32
    %add3A_57 = vector.broadcast %add3A_56 : f32 to vector<400x1xf32>
    %add3A_58 = arith.addf %div3A_55, %add3A_57 : vector<400x1xf32>
    %rsqrt3A = math.rsqrt %add3A_58 : vector<400x1xf32>
    %mul3A_59 = vector.broadcast %rsqrt3A : vector<400x1xf32> to vector<400x128xf32>
    %mul3A_60 = arith.mulf %sub3A_48, %mul3A_59 : vector<400x128xf32>
    %get3A_61 = arith.constant 0 : index
    %get3A_62 = arith.constant 0 : index
    %get3A_63 = vector.load %arg8[%get3A_61, %get3A_62] : memref<1x128xf32, #tpu.memory_space<vmem>>, vector<1x128xf32>
    %mul3A_64 = vector.broadcast %get3A_63 : vector<1x128xf32> to vector<400x128xf32>
    %mul3A_65 = arith.mulf %mul3A_60, %mul3A_64 : vector<400x128xf32>
    %get3A_66 = arith.constant 0 : index
    %get3A_67 = arith.constant 0 : index
    %get3A_68 = vector.load %arg9[%get3A_66, %get3A_67] : memref<1x128xf32, #tpu.memory_space<vmem>>, vector<1x128xf32>
    %add3A_69 = vector.broadcast %get3A_68 : vector<1x128xf32> to vector<400x128xf32>
    %add3A_70 = arith.addf %mul3A_65, %add3A_69 : vector<400x128xf32>
    %swap3A = arith.constant 0 : index
    %swap3A_71 = arith.constant 0 : index
    %swap3A_72 = vector.load %arg10[%swap3A, %swap3A_71] : memref<400x128xf32, #tpu.memory_space<vmem>>, vector<400x128xf32>
    tpu.vector_store %arg10[%swap3A, %swap3A_71], %add3A_70 {strides = array<i32>} : memref<400x128xf32, #tpu.memory_space<vmem>>, vector<400x128xf32>,
    return
  }
  func.func @transform_0(%arg0: i32) -> (i32, i32) {
    %c0_i32 = arith.constant 0 : i32
    %c0_i32_0 = arith.constant 0 : i32
    return %arg0, %c0_i32 : i32, i32
  }
  func.func @transform_1(%arg0: i32) -> (i32, i32, i32) {
    %c0_i32 = arith.constant 0 : i32
    %c0_i32_0 = arith.constant 0 : i32
    %c0_i32_1 = arith.constant 0 : i32
    return %c0_i32, %arg0, %c0_i32_0 : i32, i32, i32
  }
  func.func @transform_2(%arg0: i32) -> (i32, i32, i32) {
    %c1_i32 = arith.constant 1 : i32
    %c0_i32 = arith.constant 0 : i32
    %c0_i32_0 = arith.constant 0 : i32
    return %c1_i32, %arg0, %c0_i32 : i32, i32, i32
  }
  func.func @transform_3(%arg0: i32) -> (i32, i32) {
    %c0_i32 = arith.constant 0 : i32
    %c0_i32_0 = arith.constant 0 : i32
    %c0_i32_1 = arith.constant 0 : i32
    return %c0_i32, %c0_i32_0 : i32, i32
  }
  func.func @transform_4(%arg0: i32) -> (i32, i32) {
    %c0_i32 = arith.constant 0 : i32
    %c0_i32_0 = arith.constant 0 : i32
    %c0_i32_1 = arith.constant 0 : i32
    return %c0_i32, %c0_i32_0 : i32, i32
  }
  func.func @transform_5(%arg0: i32) -> (i32, i32) {
    %c0_i32 = arith.constant 0 : i32
    %c0_i32_0 = arith.constant 0 : i32
    %c0_i32_1 = arith.constant 0 : i32
    return %c0_i32, %c0_i32_0 : i32, i32
  }
  func.func @transform_6(%arg0: i32) -> (i32, i32) {
    %c0_i32 = arith.constant 0 : i32
    %c0_i32_0 = arith.constant 0 : i32
    %c0_i32_1 = arith.constant 0 : i32
    return %c0_i32, %c0_i32_0 : i32, i32
  }
  func.func @transform_7(%arg0: i32) -> (i32, i32) {
    %c0_i32 = arith.constant 0 : i32
    %c0_i32_0 = arith.constant 0 : i32
    %c0_i32_1 = arith.constant 0 : i32
    return %c0_i32, %c0_i32_0 : i32, i32
  }
  func.func @transform_8(%arg0: i32) -> (i32, i32) {
    %c0_i32 = arith.constant 0 : i32
    %c0_i32_0 = arith.constant 0 : i32
    %c0_i32_1 = arith.constant 0 : i32
    return %c0_i32, %c0_i32_0 : i32, i32
  }
  func.func @transform_9(%arg0: i32) -> (i32, i32) {
    %c0_i32 = arith.constant 0 : i32
    %c0_i32_0 = arith.constant 0 : i32
    return %arg0, %c0_i32 : i32, i32
  }
}

</mosaic_0001>

<sc_bundles>
// kernel: kernel.4.cloned.1.call-start
scs
__scs_entry_jumppad:
0x0: {  	(pc) =	sbr.rel $0x88, $3  }
0x1: {  	(tag) =	ssettag $0x0;
	lr =	simm.s32 $0x1  }
0x2: {  	[smem:$0x3F99] =	sst lr;
	_ =	strace $0xD0000000  }
0x3: {  	_ = 	snop  }
0x4: {  	_ = 	snop  }
0x5: {  	_ = 	snop  }
0x6: {  	_ = 	snop  }
0x7: {  	_ = 	snop  }
__scs_overlays_trampoline_lowered:
0x8: {  	[smem:$0x3FA8] =	sst s0  }
0x9: {  	[smem:$0x3FA9] =	sst s1  }
0xa: {  	[smem:$0x3FAA] =	sst s2  }
0xb: {  	[smem:$0x3FAB] =	sst s3  }
0xc: {  	[smem:$0x3FAC] =	sst s4  }
0xd: {  	[smem:$0x3FAD] =	sst s5  }
0xe: {  	[smem:$0x3FAE] =	sst s6  }
0xf: {  	[smem:$0x3FAF] =	sst s7  }
0x10: {  	[smem:$0x3FB0] =	sst s8  }
0x11: {  	[smem:$0x3FB1] =	sst s9;
	s0 =	simm.s32 @!p0 $0x0  }
0x12: {  	s1 =	sld [smem:$0x3F97];
	s0 =	simm.s32 @p0 $0x1  }
0x13: {  	[smem:$0x3FB2] =	sst s0;
	s0 =	simm.s32 @!p1 $0x0  }
0x14: {  	s2 =	sld [smem:$0x3F96];
	s0 =	simm.s32 @p1 $0x1  }
0x15: {  	[smem:$0x3FB3] =	sst s0;
	s0 =	simm.s32 @!p2 $0x0  }
0x16: {  	s3 =	sld [smem:$0x3FDB];
	s0 =	simm.s32 @p2 $0x1  }
0x17: {  	s4 =	simm.s32 $0x1BF5;
	[smem:$0x3FB5] =	sst s0  }
0x18: {  	s0 =	sld [smem:$0x3F98];
	_ =	swait.ge [sflag:s4], $0x0  }
0x19: {  	s7 =	sld [smem:$0x3F99]  }
0x1a: {  	s8 =	sadd.s32 $0xFFFFE003, lr  }
0x1b: {  	s9 =	sadd.s32 $0xFFFFFEF7, lr;
	s5 =	simm.s32 $0xFFFFFFFF;
	p2 =	slt.u32 s8, $0xFFFFF086  }
0x1c: {  	p1 =	slt.u32 s9, $0xF7A;
	s5 =	simm.s32 @!p2 $0x0  }
0x1d: {  	s5 =	simm.s32 @p1 $0x1;
	p0 =	seq.s32 s7, s2  }
0x1e: {  	s7 =	smul.u32 @!p0 $0xF7A, s2;
	p2 =	seq.s32 @!p0 s5, $0x0  }
0x1f: {  	s9 =	smul.u32 $0xF7A, s1;
	s8 =	simm.s32 @!p0 $0x1BF5;
	p2 =	por !p2, p0  }
0x20: {  	[sflag:s8] =	ssyncset.s32 @!p0 $0xFFFFF086;
	s6 =	sadd.s32 @!p0 s3, s7;
	s7 =	simm.s32 @!p0 $0x108  }
0x21: {  	s3 =	sadd.s32 s3, s9;
	s6 =	sadd.s32 @!p0 $0x88, s6;
	s7 =	simm.s32 @p2 $0x1082  }
0x22: {  	[simem:s7], [sflag:s8] =	dma.local @!p0 [hbm:s6], $0xF7A  }
0x23: {  	s9 =	sor.u32 $0xD0000000, s2;
	s6 =	simm.s32 $0x108;
	_ =	swait.ge @!p0 [sflag:s8], $0x0  }
0x24: {  	s3 =	sadd.s32 $0x88, s3;
	s6 =	simm.s32 @!p1 $0x1082;
	[sflag:s4] =	ssyncset.s32 $0xFFFFF086  }
0x25: {  	[simem:s6], [sflag:s4] =	dma.local [hbm:s3], $0xF7A  }
0x26: {  	[smem:$0x3F99] =	sst s1;
	(tag) =	ssettag s2;
	_ =	strace s9  }
0x27: {  	s1 =	sld [smem:$0x3FA9]  }
0x28: {  	s2 =	sld [smem:$0x3FAA]  }
0x29: {  	s4 =	sld [smem:$0x3FAC]  }
0x2a: {  	p0 =	seq.s32 s5, $0x0;
	s5 =	sld [smem:$0x3FAD]  }
0x2b: {  	s6 =	sld [smem:$0x3FAE]  }
0x2c: {  	s7 =	sld [smem:$0x3FAF]  }
0x2d: {  	s3 =	simm.s32 $0x108;
	s8 =	sld [smem:$0x3FB0]  }
0x2e: {  	s3 =	simm.s32 @!p0 $0x1082;
	s9 =	sld [smem:$0x3FB1]  }
0x2f: {  	lr =	sadd.s32 s0, s3;
	s0 =	sld [smem:$0x3FA8]  }
0x30: {  	s3 =	sld [smem:$0x3FAB]  }
0x31: {  	[smem:$0x3FB4] =	sst s10  }
0x32: {  	s10 =	sld [smem:$0x3FB2];
	_ =	sdelay $0x3  }
0x33: {  	p0 =	seq.s32 s10, $0x1;
	s10 =	sld [smem:$0x3FB4];
	_ =	sdelay $0x3  }
0x34: {  	[smem:$0x3FB4] =	sst s10  }
0x35: {  	s10 =	sld [smem:$0x3FB3];
	_ =	sdelay $0x3  }
0x36: {  	p1 =	seq.s32 s10, $0x1;
	s10 =	sld [smem:$0x3FB4];
	_ =	sdelay $0x3  }
0x37: {  	[smem:$0x3FB4] =	sst s10  }
0x38: {  	s10 =	sld [smem:$0x3FB5]  }
0x39: {  	_ = 	snop;
	(pc) =	sbr.ind lr, $3  }
0x3a: {  	_ = 	snop  }
0x3b: {  	_ = 	snop  }
0x3c: {  	p2 =	seq.s32 s10, $0x1;
	s10 =	sld [smem:$0x3FB4]  }
0x3d: {  	_ =	shalt  }
0x3e: {  	_ =	shalt  }
0x3f: {  	_ =	shalt  }
0x40: {  	_ =	shalt  }
0x41: {  	_ =	shalt  }
0x42: {  	_ =	shalt  }
0x43: {  	_ =	shalt  }
0x44: {  	_ =	shalt  }
0x45: {  	_ =	shalt  }
0x46: {  	_ =	shalt  }
0x47: {  	_ =	shalt  }
0x48: {  	_ =	shalt  }
0x49: {  	_ =	shalt  }
0x4a: {  	_ =	shalt  }
0x4b: {  	_ =	shalt  }
0x4c: {  	_ =	shalt  }
0x4d: {  	_ =	shalt  }
0x4e: {  	_ =	shalt  }
0x4f: {  	_ =	shalt  }
0x50: {  	_ =	shalt  }
0x51: {  	_ =	shalt  }
0x52: {  	_ =	shalt  }
0x53: {  	_ =	shalt  }
0x54: {  	_ =	shalt  }
0x55: {  	_ =	shalt  }
0x56: {  	_ =	shalt  }
0x57: {  	_ =	shalt  }
0x58: {  	_ =	shalt  }
0x59: {  	_ =	shalt  }
0x5a: {  	_ =	shalt  }
0x5b: {  	_ =	shalt  }
0x5c: {  	_ =	shalt  }
0x5d: {  	_ =	shalt  }
0x5e: {  	_ =	shalt  }
0x5f: {  	_ =	shalt  }
0x60: {  	_ =	shalt  }
0x61: {  	_ =	shalt  }
0x62: {  	_ =	shalt  }
0x63: {  	_ =	shalt  }
0x64: {  	_ =	shalt  }
0x65: {  	_ =	shalt  }
0x66: {  	_ =	shalt  }
0x67: {  	_ =	shalt  }
0x68: {  	_ =	shalt  }
0x69: {  	_ =	shalt  }
0x6a: {  	_ =	shalt  }
0x6b: {  	_ =	shalt  }
0x6c: {  	_ =	shalt  }
0x6d: {  	_ =	shalt  }
0x6e: {  	_ =	shalt  }
0x6f: {  	_ =	shalt  }
0x70: {  	_ =	shalt  }
0x71: {  	_ =	shalt  }
0x72: {  	_ =	shalt  }
0x73: {  	_ =	shalt  }
0x74: {  	_ =	shalt  }
0x75: {  	_ =	shalt  }
0x76: {  	_ =	shalt  }
0x77: {  	_ =	shalt  }
0x78: {  	_ =	shalt  }
0x79: {  	_ =	shalt  }
0x7a: {  	_ =	shalt  }
0x7b: {  	_ =	shalt  }
0x7c: {  	_ =	shalt  }
0x7d: {  	_ =	shalt  }
0x7e: {  	_ =	shalt  }
0x7f: {  	_ =	shalt  }
0x80: {  	_ =	shalt  }
0x81: {  	_ =	shalt  }
0x82: {  	_ =	shalt  }
0x83: {  	_ =	shalt  }
0x84: {  	_ =	shalt  }
0x85: {  	_ =	shalt  }
0x86: {  	_ =	shalt  }
0x87: {  	_ =	shalt  }
.Lfunc_end0:
.L_simem_size_0:
called_computation_lowered:
.L_overlay_start_0:
0x88: {  	s2 =	sld [smem:$0x3FD9]  }
0x89: {  	s3 =	sld [smem:$0x3FFE];
	_ =	sdelay $0x1  }
0x8a: {  	s1 =	srdreg.scid  }
0x8b: {  	s0 =	sand.u32 $0x1, s1  }
0x8c: {  	s17 =	sshll.u32 s0, $0xA;
	s2 =	sadd.s32 s3, s2  }
0x8d: {  	s2 =	sadd.s32 s2, s17  }
0x8e: {  	[smem:$0x3FC0] =	sst s2  }
0x8f: {  	_ = 	snop  }
0x90: {  	s2 =	sld [smem:$0x3FD0];
	(tm) =	ssettm $0x1  }
0x91: {  	s18 =	sld [smem:$0x3FFB];
	_ =	sdelay $0x3  }
0x92: {  	_ =	strace s18  }
0x93: {  	s3 =	sld [smem:$0x3FFC];
	_ =	sdelay $0x3  }
0x94: {  	_ =	strace s3  }
0x95: {  	s3 =	sld [smem:$0x3FFD];
	_ =	sdelay $0x3  }
0x96: {  	_ =	strace s3  }
0x97: {  	_ =	strace $0x8FFFFFFF  }
0x98: {  	s19 =	sld [smem:$0x3FDB];
	_ =	sdelay $0x1  }
0x99: {  	s4 =	simm.s32 $_scs_section_size  }
0x9a: {  	s5 =	simm.s32 $_size__tile_overlayer_lowered;
	s6 =	simm.s32 $_tile_overlayer_lowered  }
0x9b: {  	s22 =	simm.s32 $0x1BFF;
	s21 =	sshll.u32 s6, $0x1;
	s3 =	sadd.s32 s4, s19  }
0x9c: {  	s7 =	simm.s32 $0x0;
	s20 =	sshll.u32 s5, $0x1;
	s5 =	sadd.s32 s21, s3  }
0x9d: {  	[timem:s7], [sflag:s22] =	dma.local [hbm:s5], s20  }
0x9e: {  	_ =	swait.ge [sflag:s22], s20  }
0x9f: {  	s4 =	ssub.s32 $0x0, s20;
	[sflag:s22] =	ssyncset.done $0x0  }
0xa0: {  	[sflag:s22] =	ssyncadd.s32 s4;
	_ =	sdelay $0x1  }
0xa1: {  	s23 =	simm.s32 $0x1B8B  }
0xa2: {  	_ =	swait.ge [sflag:s23], $0x1  }
0xa3: {  	[sflag:s23] =	ssyncset.done $0x0  }
0xa4: {  	s25 =	simm.s32 $0x1B8E;
	s24 =	sld [smem:$0x3FFE];
	[sflag:s23] =	ssyncadd.s32 $0xFFFFFFFF  }
0xa5: {  	s26 =	simm.s32 $execute0_lowered;
	[smem:$0x3FD2] =	sst s25  }
0xa6: {  	s5 =	sshll.u32 s26, $0x1;
	_ =	strace $0x80000046;
	[dreg:$0x1] =	wrdreg $0xFFFFFFFF  }
0xa7: {  	s28 =	simm.s32 $_size_execute0_lowered;
	s3 =	sadd.s32 s3, s5;
	[dreg:$0x0] =	wrdreg $0x0  }
0xa8: {  	s5 =	sshll.u32 s28, $0x1;
	[dreg:$0x2] =	wrdreg s3  }
0xa9: {  	[dreg:$0x3] =	wrdreg s5  }
0xaa: {  	[dreg:$0x4] =	wrdreg $0xC0  }
0xab: {  	_ =	task [dreg:s7], $0x5FFFF  }
0xac: {  	[dreg:$0x1] =	wrdreg $0xFFFFFFFF  }
0xad: {  	[dreg:$0x0] =	wrdreg $0x60  }
0xae: {  	[dreg:$0x2] =	wrdreg s24  }
0xaf: {  	[dreg:$0x3] =	wrdreg s2  }
0xb0: {  	[dreg:$0x4] =	wrdreg $0x0  }
0xb1: {  	[dreg:$0x5] =	wrdreg $0x9  }
0xb2: {  	_ =	task.clear_ibuf [dreg:s7], $0x6FFFF;
	_ =	strace $0x90000046  }
0xb3: {  	s29 =	simm.s32 $0x9;
	_ =	strace $0x80000048  }
0xb4: {  	_ =	swait.ge [sflag:s29], $0x1  }
0xb5: {  	[sflag:s29] =	ssyncadd.s32 $0xFFFFFFFF  }
0xb6: {  	_ =	strace $0x90000048  }
0xb7: {  	_ =	sfence  }
0xb8: {  	s30 =	sld [smem:$0x0];
	_ =	sdelay $0x2  }
0xb9: {  	s31 =	sshll.u32 s1, $0xD;
	s1 =	sshrl.u32 s1, $0x2  }
0xba: {  	s3 =	sand.u32 $0x4000, s31;
	s1 =	sadd.s32 s1, s30  }
0xbb: {  	s0 =	sor.u32 s3, s0;
	s1 =	sshll.u32 s1, $0x11  }
0xbc: {  	s0 =	sor.u32 s1, s0  }
0xbd: {  	s0 =	sadd.s32 $0x8F2B, s0  }
0xbe: {  	[sflag:s0] =	ssyncadd.remote.s32 $0x1  }
0xbf: {  	_ =	sfence.sel $0xFFFF  }
0xc0: {  	[dreg:$0x0] =	wrdreg $0xFFFFFFFF;
	(pc) =	sbr.abs _section_cstart, $3  }
0xc1: {  	[dreg:$0x1] =	wrdreg $0xFFFFFFFF  }
0xc2: {  	_ =	task.clear_ibuf [dreg:s7], $0x2FFFF;
	_ =	strace $0x9FFFFFFF  }
0xc3: {  	(tm) =	ssettm $0x7FFFFFFF  }
tec
execute0_lowered:
.L_overlay_start_1:
0x0: {  	(tag) =	ssettag $0x1  }
0x1: {  	s5 =	rddreg [dreg:$0x0]  }
0x2: {  	s7 =	rddreg [dreg:$0x1]  }
0x3: {  	s2 =	rddreg [dreg:$0x2]  }
0x4: {  	s0 =	rddreg [dreg:$0x3];
	s3 =	simm.s32 $0x0  }
0x5: {  	s1 =	stileid.u32;
	s4 =	srdreg.scid;
	s14 =	simm.s32 $0x1  }
0x6: {  	s15 =	simm.s32 $0x16480;
	[smem:$0x7FF] =	sst s3;
	s6 =	smul.u32 $0x16380, s1  }
0x7: {  	s8 =	sand.u32 $0x1, s4;
	s4 =	sadd.s32 $0x1000, s5;
	s12 =	sshll.u32 s1, $0x1  }
0x8: {  	s31 =	sshll.u32 s1, $0x6;
	_ =	strace $0x80000047;
	s9 =	smul.u32 $0x2C700, s8  }
0x9: {  	s11 =	ssub.s32 $0x2, s8;
	s8 =	sor.u32 s8, s12;
	s12 =	simm.s32 $0x100  }
0xa: {  	s16 =	sshrl.u32 s6, $0x3;
	s30 =	sshrl.u32 s11, $0x1;
	s8 =	smul.u32 $0xA00, s8  }
0xb: {  	s13 =	sadd.s32 s6, s2;
	s6 =	sor.u32 $0x1C02, s31;
	s10 =	sadd.s32 s16, s5  }
0xc: {  	s9 =	sadd.s32 s9, s5;
	s11 =	ssub.s32 s11, s30;
	s5 =	sadd.s32 $0x2D000, s10  }
0xd: {  	s7 =	sadd.s32 s7, s8;
	s17 =	sadd.s32 $0x59800, s9;
	s8 =	smax.u32 s11, $0x1  }
0xe: {  	s9 =	sshrl.u32 s13, $0x3;
	s10 =	simm.s32 $0x2;
	s11 =	simm.s32 $0x16380  }
0xf: {  	s13 =	simm.s32 $0x16580;
	s16 =	sadd.s32 s16, s17;
	s17 =	simm.s32 $0x0  }
.LBB2_1:
0x10: {  	[spmem:s9], [sflag:s6] =	dma.local [hbm:s5], $0x2C70  }
0x11: {  	_ =	swait.ge [sflag:s10], $0x2C70  }
0x12: {  	[sflag:s10] =	ssyncset.done $0x0  }
0x13: {  	[sflag:s10] =	ssyncadd.s32 $0xFFFFD390  }
0x14: {  	s18 =	sadd.s32 $0x0, s7;
	[bflag:$0x0] =	sbarrier.arrive $0xFFFF  }
0x15: {  	[tilespmem:s11], [sflag:$0x2] =	stream.linear.gather [hbm4b:s18+s3], $0x200, $0x38;
	[tilespmem:$0x1F580] =	vst v63  }
0x16: {  	_ =	swait.ge [sflag:s10], $0x200  }
0x17: {  	[sflag:s10] =	ssyncset.done $0x0  }
0x18: {  	[sflag:s10] =	ssyncadd.s32 $0xFFFFFE00  }
0x19: {  	[tilespmem:s13], [sflag:$0x1] =	stream.indirect.gather [hbm4b:s4+s12], $0x90, s11, s12, $0xb8;
	[tilespmem:$0x1F580] =	vst v63  }
0x1a: {  	_ =	swait.ge [sflag:s14], $0x9000  }
0x1b: {  	[sflag:s14] =	ssyncset.done $0x0  }
0x1c: {  	[sflag:s14] =	ssyncadd.s32 $0xFFFF7000  }
0x1d: {  	[spmem:s2] =	stream.indirect.scatter.add.f32 [tilespmem:s13], [sflag:$0x2], $0x90, s15, s12, $0xb8;
	[tilespmem:$0x1F580] =	vst v63  }
0x1e: {  	_ =	swait.ge [sflag:s10], $0x9000  }
0x1f: {  	s19 =	simm.s32 $0x80;
	s18 =	simm.s32 $0x40;
	[sflag:s10] =	ssyncset.done $0x0  }
.LBB2_2:
0x20: {  	s20 =	sadd.s32 s18, s7  }
0x21: {  	[sflag:s10] =	ssyncadd.s32 $0xFFFF7000;
	s18 =	smov.u32 s19;
	s21 =	sadd.s32 $0x40, s19  }
0x22: {  	[tilespmem:s11], [sflag:$0x2] =	stream.linear.gather [hbm4b:s20+s3], $0x200, $0x38;
	[tilespmem:$0x1F580] =	vst v63  }
0x23: {  	p0 =	sne.s32 s19, $0x9C0;
	_ =	swait.ge [sflag:s10], $0x200  }
0x24: {  	[sflag:s10] =	ssyncset.done $0x0  }
0x25: {  	[sflag:s10] =	ssyncadd.s32 $0xFFFFFE00  }
0x26: {  	[tilespmem:s13], [sflag:$0x1] =	stream.indirect.gather [hbm4b:s4+s12], $0x90, s11, s12, $0xb8;
	[tilespmem:$0x1F580] =	vst v63  }
0x27: {  	_ =	swait.ge [sflag:s14], $0x9000  }
.Ltmp0:
0x28: {  	[sflag:s14] =	ssyncset.done $0x0;
	(pc) =	sbr.rel @p0 .LBB2_2-.Ltmp0, $4  }
0x29: {  	[sflag:s14] =	ssyncadd.s32 $0xFFFF7000  }
0x2a: {  	[spmem:s2] =	stream.indirect.scatter.add.f32 [tilespmem:s13], [sflag:$0x2], $0x90, s15, s12, $0xb8;
	[tilespmem:$0x1F580] =	vst v63  }
0x2b: {  	_ =	swait.ge [sflag:s10], $0x9000  }
0x2c: {  	s19 =	smov.u32 s21;
	[sflag:s10] =	ssyncset.done $0x0  }
0x2d: {  	s18 =	sadd.s32 s18, s7;
	[sflag:s10] =	ssyncadd.s32 $0xFFFF7000  }
0x2e: {  	[tilespmem:s11], [sflag:$0x2] =	stream.linear.gather [hbm4b:s18+s3], $0x200, $0x38;
	[tilespmem:$0x1F580] =	vst v63  }
0x2f: {  	_ =	swait.ge [sflag:s10], $0x200  }
0x30: {  	[sflag:s10] =	ssyncset.done $0x0  }
0x31: {  	[sflag:s10] =	ssyncadd.s32 $0xFFFFFE00  }
0x32: {  	[tilespmem:s13], [sflag:$0x1] =	stream.indirect.gather [hbm4b:s4+s12], $0x90, s11, s12, $0xb8;
	[tilespmem:$0x1F580] =	vst v63  }
0x33: {  	_ =	swait.ge [sflag:s14], $0x9000  }
0x34: {  	[sflag:s14] =	ssyncset.done $0x0  }
0x35: {  	[sflag:s14] =	ssyncadd.s32 $0xFFFF7000  }
0x36: {  	[spmem:s2] =	stream.indirect.scatter.add.f32 [tilespmem:s13], [sflag:$0x2], $0x90, s15, s12, $0xb8;
	[tilespmem:$0x1F580] =	vst v63  }
0x37: {  	_ =	swait.ge [sflag:s10], $0x9000  }
0x38: {  	s17 =	sadd.s32 $0x1, s17;
	[sflag:s10] =	ssyncset.done $0x0  }
0x39: {  	p0 =	sne.s32 s17, s8;
	[sflag:s10] =	ssyncadd.s32 $0xFFFF7000  }
.Ltmp1:
0x3a: {  	[bflag:$0x0] =	sbarrier.arrive $0xFFFF;
	(pc) =	sbr.rel @p0 .LBB2_1-.Ltmp1, $4  }
0x3b: {  	[hbm:s16], [sflag:s6] =	dma.local [spmem:s9], $0x2C70  }
0x3c: {  	_ =	swait.ge [sflag:s10], $0x2C70  }
0x3d: {  	[sflag:s10] =	ssyncset.done $0x0  }
0x3e: {  	[sflag:s10] =	ssyncadd.s32 $0xFFFFD390  }
0x3f: {  	_ =	sfence.sel $0x180000  }
0x40: {  	[bflag:$0x0] =	sbarrier.arrive $0xFFFF  }
0x41: {  	p0 =	sne.s32 s1, $0x0;
	_ =	strace $0x90000047  }
0x42: {  	s0 =	sadd.s32 @!p0 $0x100000, s0;
	[bflag:$0x2] =	sbarrier.arrive $0xFFFF  }
0x43: {  	[sflag:s0] =	ssyncadd.tile.s32 @!p0 $0x1;
	_ =	shalt  }
.Lfunc_end2:
_tile_overlayer_lowered:
.L_overlay_start_2:
0x44: {  	(tag) =	ssettag $0x2  }
0x45: {  	s0 =	rddreg [dreg:$0x0];
	s2 =	stileid.u32  }
0x46: {  	s1 =	rddreg [dreg:$0x1];
	p0 =	sne.s32 s2, $0x0  }
0x47: {  	s3 =	rddreg [dreg:$0x2];
	[bflag:$0x3] =	sbarrier.arrive $0xFFFF;
	s2 =	simm.s32 @!p0 $0x1C02  }
0x48: {  	[timem:s3], [sflag:s2] =	dma.local @!p0 [hbm:s0], s1  }
0x49: {  	s0 =	simm.s32 @!p0 $0x2  }
0x4a: {  	_ =	swait.ge @!p0 [sflag:s0], s1  }
0x4b: {  	s1 =	ssub.s32 @!p0 $0x0, s1;
	[sflag:s0] =	ssyncset.done @!p0 $0x0  }
0x4c: {  	[sflag:s0] =	ssyncadd.s32 @!p0 s1  }
0x4d: {  	[bflag:$0x3] =	sbarrier.arrive $0xFFFF  }
0x4e: {  	_ =	shalt  }

</sc_bundles>
